<compile_context>
chip_gen: v7x
topology: tpu7x:2x2x1
jax: 0.10.2.dev20260603
libtpu: 0.0.44.dev20260713+nightly
codegen_flags: <defaults>
</compile_context>

<pallas_src>
import functools

import jax
import jax.numpy as jnp
from jax import lax
from jax.experimental import pallas as pl
from jax.experimental.pallas import tpu as pltpu
from jax.experimental.pallas import tpu_sc as plsc

N_EDGES = 320000
N_NODES = 10000
D_FEAT = 128

NC = 2
NS = 16
NW = NC * NS

EPT = N_EDGES // NW
EBLK = 80
NBLK = EPT // EBLK
DEPTH = 4

N_PAD = 10240
RPT = N_PAD // NS
IRT = 624

_mesh = plsc.VectorSubcoreMesh(core_axis_name="c", subcore_axis_name="s")


@functools.partial(
    pl.kernel,
    mesh=_mesh,
    out_type=jax.ShapeDtypeStruct((NC, N_PAD, D_FEAT), jnp.float32),
    scratch_types=(
        [pltpu.VMEM((EBLK,), jnp.int32) for _ in range(DEPTH)]
        + [pltpu.VMEM((EBLK, D_FEAT), jnp.float32) for _ in range(DEPTH)]
        + [pltpu.VMEM_SHARED((N_PAD, D_FEAT), jnp.float32)]
        + [pltpu.SemaphoreType.DMA for _ in range(2 * DEPTH)]
    ),
)
def _sc_scatter_add(src, index, out, part, *refs):
    idxs = refs[0:DEPTH]
    blks = refs[DEPTH:2 * DEPTH]
    acc = refs[2 * DEPTH]
    lsems = refs[2 * DEPTH + 1:3 * DEPTH + 1]
    ssems = refs[3 * DEPTH + 1:4 * DEPTH + 1]
    cid = lax.axis_index("c")
    sid = lax.axis_index("s")
    tid = cid * NS + sid
    base = tid * EPT

    def start_load(b, p):
        off = pl.multiple_of(base + b * EBLK, 8)
        pltpu.make_async_copy(index.at[pl.ds(off, EBLK)], idxs[p],
                              lsems[p]).start()
        pltpu.make_async_copy(src.at[pl.ds(off, EBLK)], blks[p],
                              lsems[p]).start()

    for p in range(DEPTH - 1):
        start_load(p, p)

    @pl.when(sid < NS - 1)
    def _():
        r0 = pl.multiple_of(sid * IRT, 8)
        pltpu.sync_copy(out.at[pl.ds(r0, IRT)], acc.at[pl.ds(r0, IRT)])

    @pl.when(sid == NS - 1)
    def _():
        pltpu.sync_copy(out.at[pl.ds((NS - 1) * IRT, 640)],
                        acc.at[pl.ds((NS - 1) * IRT, 640)])

    plsc.subcore_barrier()

    def wait_load(p):
        pltpu.make_async_copy(index.at[pl.ds(base, EBLK)], idxs[p],
                              lsems[p]).wait()
        pltpu.make_async_copy(src.at[pl.ds(base, EBLK)], blks[p],
                              lsems[p]).wait()

    def start_scat(p):
        pltpu.make_async_copy(blks[p], acc.at[idxs[p]],
                              ssems[p]).start(add=True)

    def wait_scat(p):
        pltpu.make_async_copy(blks[p], acc.at[idxs[p]], ssems[p]).wait()

    def body(i, carry):
        for p in range(DEPTH):
            b = DEPTH * i + p
            wait_load(p)
            start_scat(p)
            q = (p + DEPTH - 1) % DEPTH
            if p == 0:
                @pl.when(i > 0)
                def _():
                    wait_scat(q)
            else:
                wait_scat(q)

            @pl.when(b + DEPTH - 1 < NBLK)
            def _():
                start_load(b + DEPTH - 1, q)
        return carry

    nfull = NBLK // DEPTH
    lax.fori_loop(0, nfull, body, 0)
    for b in range(DEPTH * nfull, NBLK):
        p = b % DEPTH
        wait_load(p)
        start_scat(p)
        wait_scat((p + DEPTH - 1) % DEPTH)
        if b + DEPTH - 1 < NBLK:
            start_load(b + DEPTH - 1, (p + DEPTH - 1) % DEPTH)
    wait_scat((NBLK - 1) % DEPTH)
    plsc.subcore_barrier()

    r0 = pl.multiple_of(sid * RPT, 8)
    pltpu.sync_copy(acc.at[pl.ds(r0, RPT)], part.at[cid, pl.ds(r0, RPT)])


def _combine_body(p_ref, o_ref, r_ref):
    r_ref[...] = p_ref[0] + p_ref[1] - o_ref[...]


def _combine(part, out):
    rows = 5000
    return pl.pallas_call(
        _combine_body,
        grid=(N_NODES // rows,),
        in_specs=[
            pl.BlockSpec((NC, rows, D_FEAT), lambda i: (0, i, 0)),
            pl.BlockSpec((rows, D_FEAT), lambda i: (i, 0)),
        ],
        out_specs=pl.BlockSpec((rows, D_FEAT), lambda i: (i, 0)),
        out_shape=jax.ShapeDtypeStruct((N_NODES, D_FEAT), jnp.float32),
    )(part, out)


@jax.jit
def kernel(src, index, out):
    part = _sc_scatter_add(src, index.astype(jnp.int32), out)
    return _combine(part, out)

# --- scband reference (transcript-rebuilt; emitter-appended) ---
"""Pipeline reference for scband-scatter-model-64690797413098 (READ-ONLY COPY).

The authoritative reference and input builder live on the scoring server;
editing this copy changes nothing except your own understanding.
"""

import jax, jax.numpy as jnp
import numpy as np

N_EDGES = 320000
N_NODES = 10000
D_FEAT = 128


def setup_inputs(seed: int = 0) -> dict:
    key = jax.random.key(seed)
    k1, k2 = jax.random.split(key)
    src = jax.random.normal(k1, (N_EDGES, D_FEAT), dtype=jnp.float32)
    index = jnp.sort(jax.random.randint(k2, (N_EDGES,), 0, N_NODES, dtype=jnp.int64))
    out = jnp.zeros((N_NODES, D_FEAT), dtype=jnp.float32)
    return {"src": src, "index": index, "out": out}


def reference(src, index, out):
    # torch_scatter.scatter_add(src, index, dim=0, out=out):
    # out[index[i], :] += src[i, :], accumulated into the provided `out`.
    return out.at[index].add(src)

if __name__ == "__main__":
    import jax
    _d = setup_inputs()
    print(jax.jit(kernel)(*tuple(_d.values())))

</pallas_src>

<mosaic_0001>
#map = affine_map<(d0, d1) -> (0, 0)>
#map1 = affine_map<(d0, d1) -> (0)>
#map2 = affine_map<(d0, d1) -> (0, 0, 0)>
module attributes {stable_mosaic.version = 14 : i64} {
  func.func @_sc_scatter_add(%arg0: i32, %arg1: i32, %arg2: memref<320000x128xf32, #tpu.memory_space<hbm>>, %arg3: memref<320000xi32, #tpu.memory_space<hbm>>, %arg4: memref<10000x128xf32, #tpu.memory_space<hbm>>, %arg5: memref<2x10240x128xf32, #tpu.memory_space<hbm>>, %arg6: memref<80xi32, #tpu.memory_space<vmem>>, %arg7: memref<80xi32, #tpu.memory_space<vmem>>, %arg8: memref<80xi32, #tpu.memory_space<vmem>>, %arg9: memref<80xi32, #tpu.memory_space<vmem>>, %arg10: memref<80x128xf32, #tpu.memory_space<vmem>>, %arg11: memref<80x128xf32, #tpu.memory_space<vmem>>, %arg12: memref<80x128xf32, #tpu.memory_space<vmem>>, %arg13: memref<80x128xf32, #tpu.memory_space<vmem>>, %arg14: memref<10240x128xf32, #tpu.memory_space<vmem_shared>>, %arg15: memref<!tpu.dma_semaphore, #tpu.memory_space<semaphore_mem>>, %arg16: memref<!tpu.dma_semaphore, #tpu.memory_space<semaphore_mem>>, %arg17: memref<!tpu.dma_semaphore, #tpu.memory_space<semaphore_mem>>, %arg18: memref<!tpu.dma_semaphore, #tpu.memory_space<semaphore_mem>>, %arg19: memref<!tpu.dma_semaphore, #tpu.memory_space<semaphore_mem>>, %arg20: memref<!tpu.dma_semaphore, #tpu.memory_space<semaphore_mem>>, %arg21: memref<!tpu.dma_semaphore, #tpu.memory_space<semaphore_mem>>, %arg22: memref<!tpu.dma_semaphore, #tpu.memory_space<semaphore_mem>>) attributes {dimension_semantics = [#tpu.dimension_semantics<core_parallel>, #tpu.dimension_semantics<subcore_parallel>], iteration_bounds = array<i64: 2, 16>, scalar_prefetch = 0 : i64, scratch_operands = 17 : i64, tpu.core_type = #tpu.core_type<sc_vector_subcore>, window_params = [{transform_indices = #map}, {transform_indices = #map1}, {transform_indices = #map}, {transform_indices = #map2}]} {
    %mul3A = arith.constant 16 : i32
    %mul3A_0 = arith.muli %arg0, %mul3A : i32
    %add3A = arith.addi %mul3A_0, %arg1 : i32
    %mul3A_1 = arith.constant 10000 : i32
    %mul3A_2 = arith.muli %add3A, %mul3A_1 : i32
    %add3A_3 = arith.constant 0 : i32
    %add3A_4 = arith.addi %mul3A_2, %add3A_3 : i32
    %multiple_of3A = tpu.assume_multiple %add3A_4, 8 : i32
    %dma_start3A = tpu.memref_slice %arg3[%multiple_of3A] : memref<320000xi32, #tpu.memory_space<hbm>> -> memref<80xi32, #tpu.memory_space<hbm>>
    %dma_start3A_5 = tpu.memref_slice %arg3[%multiple_of3A] : memref<320000xi32, #tpu.memory_space<hbm>> -> memref<80xi32, #tpu.memory_space<hbm>>
    tpu.enqueue_dma source(%dma_start3A_5 : memref<80xi32, #tpu.memory_space<hbm>>) target(%arg6 : memref<80xi32, #tpu.memory_space<vmem>>) target_semaphore(%arg15 : memref<!tpu.dma_semaphore, #tpu.memory_space<semaphore_mem>>)
    %dma_start3A_6 = arith.constant 0 : i32
    %dma_start3A_7 = tpu.memref_slice %arg2[%multiple_of3A, %dma_start3A_6] : memref<320000x128xf32, #tpu.memory_space<hbm>> -> memref<80x128xf32, #tpu.memory_space<hbm>>
    %dma_start3A_8 = arith.constant 0 : i32
    %dma_start3A_9 = tpu.memref_slice %arg2[%multiple_of3A, %dma_start3A_8] : memref<320000x128xf32, #tpu.memory_space<hbm>> -> memref<80x128xf32, #tpu.memory_space<hbm>>
    tpu.enqueue_dma source(%dma_start3A_9 : memref<80x128xf32, #tpu.memory_space<hbm>>) target(%arg10 : memref<80x128xf32, #tpu.memory_space<vmem>>) target_semaphore(%arg15 : memref<!tpu.dma_semaphore, #tpu.memory_space<semaphore_mem>>)
    %add3A_10 = arith.constant 80 : i32
    %add3A_11 = arith.addi %mul3A_2, %add3A_10 : i32
    %multiple_of3A_12 = tpu.assume_multiple %add3A_11, 8 : i32
    %dma_start3A_13 = tpu.memref_slice %arg3[%multiple_of3A_12] : memref<320000xi32, #tpu.memory_space<hbm>> -> memref<80xi32, #tpu.memory_space<hbm>>
    %dma_start3A_14 = tpu.memref_slice %arg3[%multiple_of3A_12] : memref<320000xi32, #tpu.memory_space<hbm>> -> memref<80xi32, #tpu.memory_space<hbm>>
    tpu.enqueue_dma source(%dma_start3A_14 : memref<80xi32, #tpu.memory_space<hbm>>) target(%arg7 : memref<80xi32, #tpu.memory_space<vmem>>) target_semaphore(%arg16 : memref<!tpu.dma_semaphore, #tpu.memory_space<semaphore_mem>>)
    %dma_start3A_15 = arith.constant 0 : i32
    %dma_start3A_16 = tpu.memref_slice %arg2[%multiple_of3A_12, %dma_start3A_15] : memref<320000x128xf32, #tpu.memory_space<hbm>> -> memref<80x128xf32, #tpu.memory_space<hbm>>
    %dma_start3A_17 = arith.constant 0 : i32
    %dma_start3A_18 = tpu.memref_slice %arg2[%multiple_of3A_12, %dma_start3A_17] : memref<320000x128xf32, #tpu.memory_space<hbm>> -> memref<80x128xf32, #tpu.memory_space<hbm>>
    tpu.enqueue_dma source(%dma_start3A_18 : memref<80x128xf32, #tpu.memory_space<hbm>>) target(%arg11 : memref<80x128xf32, #tpu.memory_space<vmem>>) target_semaphore(%arg16 : memref<!tpu.dma_semaphore, #tpu.memory_space<semaphore_mem>>)
    %add3A_19 = arith.constant 160 : i32
    %add3A_20 = arith.addi %mul3A_2, %add3A_19 : i32
    %multiple_of3A_21 = tpu.assume_multiple %add3A_20, 8 : i32
    %dma_start3A_22 = tpu.memref_slice %arg3[%multiple_of3A_21] : memref<320000xi32, #tpu.memory_space<hbm>> -> memref<80xi32, #tpu.memory_space<hbm>>
    %dma_start3A_23 = tpu.memref_slice %arg3[%multiple_of3A_21] : memref<320000xi32, #tpu.memory_space<hbm>> -> memref<80xi32, #tpu.memory_space<hbm>>
    tpu.enqueue_dma source(%dma_start3A_23 : memref<80xi32, #tpu.memory_space<hbm>>) target(%arg8 : memref<80xi32, #tpu.memory_space<vmem>>) target_semaphore(%arg17 : memref<!tpu.dma_semaphore, #tpu.memory_space<semaphore_mem>>)
    %dma_start3A_24 = arith.constant 0 : i32
    %dma_start3A_25 = tpu.memref_slice %arg2[%multiple_of3A_21, %dma_start3A_24] : memref<320000x128xf32, #tpu.memory_space<hbm>> -> memref<80x128xf32, #tpu.memory_space<hbm>>
    %dma_start3A_26 = arith.constant 0 : i32
    %dma_start3A_27 = tpu.memref_slice %arg2[%multiple_of3A_21, %dma_start3A_26] : memref<320000x128xf32, #tpu.memory_space<hbm>> -> memref<80x128xf32, #tpu.memory_space<hbm>>
    tpu.enqueue_dma source(%dma_start3A_27 : memref<80x128xf32, #tpu.memory_space<hbm>>) target(%arg12 : memref<80x128xf32, #tpu.memory_space<vmem>>) target_semaphore(%arg17 : memref<!tpu.dma_semaphore, #tpu.memory_space<semaphore_mem>>)
    %lt3A = arith.constant 15 : i32
    %lt3A_28 = arith.cmpi slt, %arg1, %lt3A : i32
    %convert_element_type3A = arith.extui %lt3A_28 : i1 to i32
    %cond3A = arith.constant 0 : i32
    %cond3A_29 = arith.cmpi ne, %convert_element_type3A, %cond3A : i32
    scf.if %cond3A_29 {
      %mul3A_57 = arith.constant 624 : i32
      %mul3A_58 = arith.muli %arg1, %mul3A_57 : i32
      %multiple_of3A_59 = tpu.assume_multiple %mul3A_58, 8 : i32
      "tpu.region"() ({
        %run_scoped3A = tpu.sem_alloc : memref<!tpu.dma_semaphore, #tpu.memory_space<semaphore_mem>>
        %dma_start3A_60 = arith.constant 0 : i32
        %dma_start3A_61 = tpu.memref_slice %arg14[%multiple_of3A_59, %dma_start3A_60] : memref<10240x128xf32, #tpu.memory_space<vmem_shared>> -> memref<624x128xf32, #tpu.memory_space<vmem_shared>>
        %dma_start3A_62 = arith.constant 0 : i32
        %dma_start3A_63 = tpu.memref_slice %arg4[%multiple_of3A_59, %dma_start3A_62] : memref<10000x128xf32, #tpu.memory_space<hbm>> -> memref<624x128xf32, #tpu.memory_space<hbm>>
        tpu.enqueue_dma source(%dma_start3A_63 : memref<624x128xf32, #tpu.memory_space<hbm>>) target(%dma_start3A_61 : memref<624x128xf32, #tpu.memory_space<vmem_shared>>) target_semaphore(%run_scoped3A : memref<!tpu.dma_semaphore, #tpu.memory_space<semaphore_mem>>)
        %dma_wait3A_64 = arith.constant 0 : i32
        %dma_wait3A_65 = tpu.memref_slice %arg14[%multiple_of3A_59, %dma_wait3A_64] : memref<10240x128xf32, #tpu.memory_space<vmem_shared>> -> memref<624x128xf32, #tpu.memory_space<vmem_shared>>
        %dma_wait3A_66 = arith.constant 0 : i32
        %dma_wait3A_67 = tpu.memref_slice %arg4[%multiple_of3A_59, %dma_wait3A_66] : memref<10000x128xf32, #tpu.memory_space<hbm>> -> memref<624x128xf32, #tpu.memory_space<hbm>>
        tpu.wait_dma2 semaphore(%run_scoped3A : memref<!tpu.dma_semaphore, #tpu.memory_space<semaphore_mem>>) src(%dma_wait3A_67 : memref<624x128xf32, #tpu.memory_space<hbm>>) dst(%dma_wait3A_65 : memref<624x128xf32, #tpu.memory_space<vmem_shared>>)
        tpu.yield
      }) : () -> ()
    } else {
    }
    %eq3A = arith.constant 15 : i32
    %eq3A_30 = arith.cmpi eq, %arg1, %eq3A : i32
    %convert_element_type3A_31 = arith.extui %eq3A_30 : i1 to i32
    %cond3A_32 = arith.constant 0 : i32
    %cond3A_33 = arith.cmpi ne, %convert_element_type3A_31, %cond3A_32 : i32
    scf.if %cond3A_33 {
      "tpu.region"() ({
        %run_scoped3A = tpu.sem_alloc : memref<!tpu.dma_semaphore, #tpu.memory_space<semaphore_mem>>
        %dma_start3A_57 = arith.constant 9360 : i32
        %dma_start3A_58 = arith.constant 0 : i32
        %dma_start3A_59 = tpu.memref_slice %arg14[%dma_start3A_57, %dma_start3A_58] : memref<10240x128xf32, #tpu.memory_space<vmem_shared>> -> memref<640x128xf32, #tpu.memory_space<vmem_shared>>
        %dma_start3A_60 = arith.constant 9360 : i32
        %dma_start3A_61 = arith.constant 0 : i32
        %dma_start3A_62 = tpu.memref_slice %arg4[%dma_start3A_60, %dma_start3A_61] : memref<10000x128xf32, #tpu.memory_space<hbm>> -> memref<640x128xf32, #tpu.memory_space<hbm>>
        tpu.enqueue_dma source(%dma_start3A_62 : memref<640x128xf32, #tpu.memory_space<hbm>>) target(%dma_start3A_59 : memref<640x128xf32, #tpu.memory_space<vmem_shared>>) target_semaphore(%run_scoped3A : memref<!tpu.dma_semaphore, #tpu.memory_space<semaphore_mem>>)
        %dma_wait3A_63 = arith.constant 9360 : i32
        %dma_wait3A_64 = arith.constant 0 : i32
        %dma_wait3A_65 = tpu.memref_slice %arg14[%dma_wait3A_63, %dma_wait3A_64] : memref<10240x128xf32, #tpu.memory_space<vmem_shared>> -> memref<640x128xf32, #tpu.memory_space<vmem_shared>>
        %dma_wait3A_66 = arith.constant 9360 : i32
        %dma_wait3A_67 = arith.constant 0 : i32
        %dma_wait3A_68 = tpu.memref_slice %arg4[%dma_wait3A_66, %dma_wait3A_67] : memref<10000x128xf32, #tpu.memory_space<hbm>> -> memref<640x128xf32, #tpu.memory_space<hbm>>
        tpu.wait_dma2 semaphore(%run_scoped3A : memref<!tpu.dma_semaphore, #tpu.memory_space<semaphore_mem>>) src(%dma_wait3A_68 : memref<640x128xf32, #tpu.memory_space<hbm>>) dst(%dma_wait3A_65 : memref<640x128xf32, #tpu.memory_space<vmem_shared>>)
        tpu.yield
      }) : () -> ()
    } else {
    }
    %barrier3A = arith.constant 0 : index
    tpu.barrier barrier_id(%barrier3A)
    %scan3A = arith.constant 0 : i32
    %scan3A_34 = arith.constant 0 : i32
    %scan3A_35 = arith.constant 31 : i32
    %scan3A_36 = arith.addi %scan3A_34, %scan3A_35 : i32
    %scan3A_37 = arith.constant 1 : i32
    scf.for %scan3A_57 = %scan3A_34 to %scan3A_36 step %scan3A_37  : i32 {
      %mul3A_58 = arith.constant 4 : i32
      %mul3A_59 = arith.muli %mul3A_58, %scan3A_57 : i32
      %add3A_60 = arith.constant 0 : i32
      %add3A_61 = arith.addi %mul3A_59, %add3A_60 : i32
      %dma_wait3A_62 = tpu.memref_slice %arg3[%mul3A_2] : memref<320000xi32, #tpu.memory_space<hbm>> -> memref<80xi32, #tpu.memory_space<hbm>>
      %dma_wait3A_63 = tpu.memref_slice %arg3[%mul3A_2] : memref<320000xi32, #tpu.memory_space<hbm>> -> memref<80xi32, #tpu.memory_space<hbm>>
      tpu.wait_dma2 semaphore(%arg15 : memref<!tpu.dma_semaphore, #tpu.memory_space<semaphore_mem>>) src(%dma_wait3A_63 : memref<80xi32, #tpu.memory_space<hbm>>) dst(%arg6 : memref<80xi32, #tpu.memory_space<vmem>>)
      %dma_wait3A_64 = arith.constant 0 : i32
      %dma_wait3A_65 = tpu.memref_slice %arg2[%mul3A_2, %dma_wait3A_64] : memref<320000x128xf32, #tpu.memory_space<hbm>> -> memref<80x128xf32, #tpu.memory_space<hbm>>
      %dma_wait3A_66 = arith.constant 0 : i32
      %dma_wait3A_67 = tpu.memref_slice %arg2[%mul3A_2, %dma_wait3A_66] : memref<320000x128xf32, #tpu.memory_space<hbm>> -> memref<80x128xf32, #tpu.memory_space<hbm>>
      tpu.wait_dma2 semaphore(%arg15 : memref<!tpu.dma_semaphore, #tpu.memory_space<semaphore_mem>>) src(%dma_wait3A_67 : memref<80x128xf32, #tpu.memory_space<hbm>>) dst(%arg10 : memref<80x128xf32, #tpu.memory_space<vmem>>)
      %dma_start3A_68 = arith.constant 0 : i32
      %dma_start3A_69 = arith.constant 0 : i32
      %dma_start3A_70 = tpu.memref_slice %arg14[%dma_start3A_68, %dma_start3A_69] : memref<10240x128xf32, #tpu.memory_space<vmem_shared>> -> memref<10240x128xf32, #tpu.memory_space<vmem_shared>>
      tpu.enqueue_indirect_dma source(%arg10 : memref<80x128xf32, #tpu.memory_space<vmem>>) target(%dma_start3A_70 : memref<10240x128xf32, #tpu.memory_space<vmem_shared>>) offsets(%arg6 : memref<80xi32, #tpu.memory_space<vmem>>) semaphore(%arg19 : memref<!tpu.dma_semaphore, #tpu.memory_space<semaphore_mem>>) {add = true}
      %gt3A = arith.constant 0 : i32
      %gt3A_71 = arith.cmpi sgt, %scan3A_57, %gt3A : i32
      %convert_element_type3A_72 = arith.extui %gt3A_71 : i1 to i32
      %cond3A_73 = arith.constant 0 : i32
      %cond3A_74 = arith.cmpi ne, %convert_element_type3A_72, %cond3A_73 : i32
      scf.if %cond3A_74 {
        %dma_wait3A_158 = arith.constant 0 : i32
        %dma_wait3A_159 = arith.constant 0 : i32
        %dma_wait3A_160 = tpu.memref_slice %arg14[%dma_wait3A_158, %dma_wait3A_159] : memref<10240x128xf32, #tpu.memory_space<vmem_shared>> -> memref<10240x128xf32, #tpu.memory_space<vmem_shared>>
        tpu.wait_indirect_dma semaphore(%arg22 : memref<!tpu.dma_semaphore, #tpu.memory_space<semaphore_mem>>) src(%arg13 : memref<80x128xf32, #tpu.memory_space<vmem>>) dst(%dma_wait3A_160 : memref<10240x128xf32, #tpu.memory_space<vmem_shared>>)
      } else {
      }
      %add3A_75 = arith.constant 4 : i32
      %add3A_76 = arith.addi %add3A_61, %add3A_75 : i32
      %sub3A = arith.constant 1 : i32
      %sub3A_77 = arith.subi %add3A_76, %sub3A : i32
      %lt3A_78 = arith.constant 125 : i32
      %lt3A_79 = arith.cmpi slt, %sub3A_77, %lt3A_78 : i32
      %convert_element_type3A_80 = arith.extui %lt3A_79 : i1 to i32
      %cond3A_81 = arith.constant 0 : i32
      %cond3A_82 = arith.cmpi ne, %convert_element_type3A_80, %cond3A_81 : i32
      scf.if %cond3A_82 {
        %add3A_158 = arith.constant 4 : i32
        %add3A_159 = arith.addi %add3A_61, %add3A_158 : i32
        %sub3A_160 = arith.constant 1 : i32
        %sub3A_161 = arith.subi %add3A_159, %sub3A_160 : i32
        %mul3A_162 = arith.constant 80 : i32
        %mul3A_163 = arith.muli %sub3A_161, %mul3A_162 : i32
        %add3A_164 = arith.addi %mul3A_2, %mul3A_163 : i32
        %multiple_of3A_165 = tpu.assume_multiple %add3A_164, 8 : i32
        %dma_start3A_166 = tpu.memref_slice %arg3[%multiple_of3A_165] : memref<320000xi32, #tpu.memory_space<hbm>> -> memref<80xi32, #tpu.memory_space<hbm>>
        %dma_start3A_167 = tpu.memref_slice %arg3[%multiple_of3A_165] : memref<320000xi32, #tpu.memory_space<hbm>> -> memref<80xi32, #tpu.memory_space<hbm>>
        tpu.enqueue_dma source(%dma_start3A_167 : memref<80xi32, #tpu.memory_space<hbm>>) target(%arg9 : memref<80xi32, #tpu.memory_space<vmem>>) target_semaphore(%arg18 : memref<!tpu.dma_semaphore, #tpu.memory_space<semaphore_mem>>)
        %dma_start3A_168 = arith.constant 0 : i32
        %dma_start3A_169 = tpu.memref_slice %arg2[%multiple_of3A_165, %dma_start3A_168] : memref<320000x128xf32, #tpu.memory_space<hbm>> -> memref<80x128xf32, #tpu.memory_space<hbm>>
        %dma_start3A_170 = arith.constant 0 : i32
        %dma_start3A_171 = tpu.memref_slice %arg2[%multiple_of3A_165, %dma_start3A_170] : memref<320000x128xf32, #tpu.memory_space<hbm>> -> memref<80x128xf32, #tpu.memory_space<hbm>>
        tpu.enqueue_dma source(%dma_start3A_171 : memref<80x128xf32, #tpu.memory_space<hbm>>) target(%arg13 : memref<80x128xf32, #tpu.memory_space<vmem>>) target_semaphore(%arg18 : memref<!tpu.dma_semaphore, #tpu.memory_space<semaphore_mem>>)
      } else {
      }
      %mul3A_83 = arith.constant 4 : i32
      %mul3A_84 = arith.muli %mul3A_83, %scan3A_57 : i32
      %add3A_85 = arith.constant 1 : i32
      %add3A_86 = arith.addi %mul3A_84, %add3A_85 : i32
      %dma_wait3A_87 = tpu.memref_slice %arg3[%mul3A_2] : memref<320000xi32, #tpu.memory_space<hbm>> -> memref<80xi32, #tpu.memory_space<hbm>>
      %dma_wait3A_88 = tpu.memref_slice %arg3[%mul3A_2] : memref<320000xi32, #tpu.memory_space<hbm>> -> memref<80xi32, #tpu.memory_space<hbm>>
      tpu.wait_dma2 semaphore(%arg16 : memref<!tpu.dma_semaphore, #tpu.memory_space<semaphore_mem>>) src(%dma_wait3A_88 : memref<80xi32, #tpu.memory_space<hbm>>) dst(%arg7 : memref<80xi32, #tpu.memory_space<vmem>>)
      %dma_wait3A_89 = arith.constant 0 : i32
      %dma_wait3A_90 = tpu.memref_slice %arg2[%mul3A_2, %dma_wait3A_89] : memref<320000x128xf32, #tpu.memory_space<hbm>> -> memref<80x128xf32, #tpu.memory_space<hbm>>
      %dma_wait3A_91 = arith.constant 0 : i32
      %dma_wait3A_92 = tpu.memref_slice %arg2[%mul3A_2, %dma_wait3A_91] : memref<320000x128xf32, #tpu.memory_space<hbm>> -> memref<80x128xf32, #tpu.memory_space<hbm>>
      tpu.wait_dma2 semaphore(%arg16 : memref<!tpu.dma_semaphore, #tpu.memory_space<semaphore_mem>>) src(%dma_wait3A_92 : memref<80x128xf32, #tpu.memory_space<hbm>>) dst(%arg11 : memref<80x128xf32, #tpu.memory_space<vmem>>)
      %dma_start3A_93 = arith.constant 0 : i32
      %dma_start3A_94 = arith.constant 0 : i32
      %dma_start3A_95 = tpu.memref_slice %arg14[%dma_start3A_93, %dma_start3A_94] : memref<10240x128xf32, #tpu.memory_space<vmem_shared>> -> memref<10240x128xf32, #tpu.memory_space<vmem_shared>>
      tpu.enqueue_indirect_dma source(%arg11 : memref<80x128xf32, #tpu.memory_space<vmem>>) target(%dma_start3A_95 : memref<10240x128xf32, #tpu.memory_space<vmem_shared>>) offsets(%arg7 : memref<80xi32, #tpu.memory_space<vmem>>) semaphore(%arg20 : memref<!tpu.dma_semaphore, #tpu.memory_space<semaphore_mem>>) {add = true}
      %dma_wait3A_96 = arith.constant 0 : i32
      %dma_wait3A_97 = arith.constant 0 : i32
      %dma_wait3A_98 = tpu.memref_slice %arg14[%dma_wait3A_96, %dma_wait3A_97] : memref<10240x128xf32, #tpu.memory_space<vmem_shared>> -> memref<10240x128xf32, #tpu.memory_space<vmem_shared>>
      tpu.wait_indirect_dma semaphore(%arg19 : memref<!tpu.dma_semaphore, #tpu.memory_space<semaphore_mem>>) src(%arg10 : memref<80x128xf32, #tpu.memory_space<vmem>>) dst(%dma_wait3A_98 : memref<10240x128xf32, #tpu.memory_space<vmem_shared>>)
      %add3A_99 = arith.constant 4 : i32
      %add3A_100 = arith.addi %add3A_86, %add3A_99 : i32
      %sub3A_101 = arith.constant 1 : i32
      %sub3A_102 = arith.subi %add3A_100, %sub3A_101 : i32
      %lt3A_103 = arith.constant 125 : i32
      %lt3A_104 = arith.cmpi slt, %sub3A_102, %lt3A_103 : i32
      %convert_element_type3A_105 = arith.extui %lt3A_104 : i1 to i32
      %cond3A_106 = arith.constant 0 : i32
      %cond3A_107 = arith.cmpi ne, %convert_element_type3A_105, %cond3A_106 : i32
      scf.if %cond3A_107 {
        %add3A_158 = arith.constant 4 : i32
        %add3A_159 = arith.addi %add3A_86, %add3A_158 : i32
        %sub3A_160 = arith.constant 1 : i32
        %sub3A_161 = arith.subi %add3A_159, %sub3A_160 : i32
        %mul3A_162 = arith.constant 80 : i32
        %mul3A_163 = arith.muli %sub3A_161, %mul3A_162 : i32
        %add3A_164 = arith.addi %mul3A_2, %mul3A_163 : i32
        %multiple_of3A_165 = tpu.assume_multiple %add3A_164, 8 : i32
        %dma_start3A_166 = tpu.memref_slice %arg3[%multiple_of3A_165] : memref<320000xi32, #tpu.memory_space<hbm>> -> memref<80xi32, #tpu.memory_space<hbm>>
        %dma_start3A_167 = tpu.memref_slice %arg3[%multiple_of3A_165] : memref<320000xi32, #tpu.memory_space<hbm>> -> memref<80xi32, #tpu.memory_space<hbm>>
        tpu.enqueue_dma source(%dma_start3A_167 : memref<80xi32, #tpu.memory_space<hbm>>) target(%arg6 : memref<80xi32, #tpu.memory_space<vmem>>) target_semaphore(%arg15 : memref<!tpu.dma_semaphore, #tpu.memory_space<semaphore_mem>>)
        %dma_start3A_168 = arith.constant 0 : i32
        %dma_start3A_169 = tpu.memref_slice %arg2[%multiple_of3A_165, %dma_start3A_168] : memref<320000x128xf32, #tpu.memory_space<hbm>> -> memref<80x128xf32, #tpu.memory_space<hbm>>
        %dma_start3A_170 = arith.constant 0 : i32
        %dma_start3A_171 = tpu.memref_slice %arg2[%multiple_of3A_165, %dma_start3A_170] : memref<320000x128xf32, #tpu.memory_space<hbm>> -> memref<80x128xf32, #tpu.memory_space<hbm>>
        tpu.enqueue_dma source(%dma_start3A_171 : memref<80x128xf32, #tpu.memory_space<hbm>>) target(%arg10 : memref<80x128xf32, #tpu.memory_space<vmem>>) target_semaphore(%arg15 : memref<!tpu.dma_semaphore, #tpu.memory_space<semaphore_mem>>)
      } else {
      }
      %mul3A_108 = arith.constant 4 : i32
      %mul3A_109 = arith.muli %mul3A_108, %scan3A_57 : i32
      %add3A_110 = arith.constant 2 : i32
      %add3A_111 = arith.addi %mul3A_109, %add3A_110 : i32
      %dma_wait3A_112 = tpu.memref_slice %arg3[%mul3A_2] : memref<320000xi32, #tpu.memory_space<hbm>> -> memref<80xi32, #tpu.memory_space<hbm>>
      %dma_wait3A_113 = tpu.memref_slice %arg3[%mul3A_2] : memref<320000xi32, #tpu.memory_space<hbm>> -> memref<80xi32, #tpu.memory_space<hbm>>
      tpu.wait_dma2 semaphore(%arg17 : memref<!tpu.dma_semaphore, #tpu.memory_space<semaphore_mem>>) src(%dma_wait3A_113 : memref<80xi32, #tpu.memory_space<hbm>>) dst(%arg8 : memref<80xi32, #tpu.memory_space<vmem>>)
      %dma_wait3A_114 = arith.constant 0 : i32
      %dma_wait3A_115 = tpu.memref_slice %arg2[%mul3A_2, %dma_wait3A_114] : memref<320000x128xf32, #tpu.memory_space<hbm>> -> memref<80x128xf32, #tpu.memory_space<hbm>>
      %dma_wait3A_116 = arith.constant 0 : i32
      %dma_wait3A_117 = tpu.memref_slice %arg2[%mul3A_2, %dma_wait3A_116] : memref<320000x128xf32, #tpu.memory_space<hbm>> -> memref<80x128xf32, #tpu.memory_space<hbm>>
      tpu.wait_dma2 semaphore(%arg17 : memref<!tpu.dma_semaphore, #tpu.memory_space<semaphore_mem>>) src(%dma_wait3A_117 : memref<80x128xf32, #tpu.memory_space<hbm>>) dst(%arg12 : memref<80x128xf32, #tpu.memory_space<vmem>>)
      %dma_start3A_118 = arith.constant 0 : i32
      %dma_start3A_119 = arith.constant 0 : i32
      %dma_start3A_120 = tpu.memref_slice %arg14[%dma_start3A_118, %dma_start3A_119] : memref<10240x128xf32, #tpu.memory_space<vmem_shared>> -> memref<10240x128xf32, #tpu.memory_space<vmem_shared>>
      tpu.enqueue_indirect_dma source(%arg12 : memref<80x128xf32, #tpu.memory_space<vmem>>) target(%dma_start3A_120 : memref<10240x128xf32, #tpu.memory_space<vmem_shared>>) offsets(%arg8 : memref<80xi32, #tpu.memory_space<vmem>>) semaphore(%arg21 : memref<!tpu.dma_semaphore, #tpu.memory_space<semaphore_mem>>) {add = true}
      %dma_wait3A_121 = arith.constant 0 : i32
      %dma_wait3A_122 = arith.constant 0 : i32
      %dma_wait3A_123 = tpu.memref_slice %arg14[%dma_wait3A_121, %dma_wait3A_122] : memref<10240x128xf32, #tpu.memory_space<vmem_shared>> -> memref<10240x128xf32, #tpu.memory_space<vmem_shared>>
      tpu.wait_indirect_dma semaphore(%arg20 : memref<!tpu.dma_semaphore, #tpu.memory_space<semaphore_mem>>) src(%arg11 : memref<80x128xf32, #tpu.memory_space<vmem>>) dst(%dma_wait3A_123 : memref<10240x128xf32, #tpu.memory_space<vmem_shared>>)
      %add3A_124 = arith.constant 4 : i32
      %add3A_125 = arith.addi %add3A_111, %add3A_124 : i32
      %sub3A_126 = arith.constant 1 : i32
      %sub3A_127 = arith.subi %add3A_125, %sub3A_126 : i32
      %lt3A_128 = arith.constant 125 : i32
      %lt3A_129 = arith.cmpi slt, %sub3A_127, %lt3A_128 : i32
      %convert_element_type3A_130 = arith.extui %lt3A_129 : i1 to i32
      %cond3A_131 = arith.constant 0 : i32
      %cond3A_132 = arith.cmpi ne, %convert_element_type3A_130, %cond3A_131 : i32
      scf.if %cond3A_132 {
        %add3A_158 = arith.constant 4 : i32
        %add3A_159 = arith.addi %add3A_111, %add3A_158 : i32
        %sub3A_160 = arith.constant 1 : i32
        %sub3A_161 = arith.subi %add3A_159, %sub3A_160 : i32
        %mul3A_162 = arith.constant 80 : i32
        %mul3A_163 = arith.muli %sub3A_161, %mul3A_162 : i32
        %add3A_164 = arith.addi %mul3A_2, %mul3A_163 : i32
        %multiple_of3A_165 = tpu.assume_multiple %add3A_164, 8 : i32
        %dma_start3A_166 = tpu.memref_slice %arg3[%multiple_of3A_165] : memref<320000xi32, #tpu.memory_space<hbm>> -> memref<80xi32, #tpu.memory_space<hbm>>
        %dma_start3A_167 = tpu.memref_slice %arg3[%multiple_of3A_165] : memref<320000xi32, #tpu.memory_space<hbm>> -> memref<80xi32, #tpu.memory_space<hbm>>
        tpu.enqueue_dma source(%dma_start3A_167 : memref<80xi32, #tpu.memory_space<hbm>>) target(%arg7 : memref<80xi32, #tpu.memory_space<vmem>>) target_semaphore(%arg16 : memref<!tpu.dma_semaphore, #tpu.memory_space<semaphore_mem>>)
        %dma_start3A_168 = arith.constant 0 : i32
        %dma_start3A_169 = tpu.memref_slice %arg2[%multiple_of3A_165, %dma_start3A_168] : memref<320000x128xf32, #tpu.memory_space<hbm>> -> memref<80x128xf32, #tpu.memory_space<hbm>>
        %dma_start3A_170 = arith.constant 0 : i32
        %dma_start3A_171 = tpu.memref_slice %arg2[%multiple_of3A_165, %dma_start3A_170] : memref<320000x128xf32, #tpu.memory_space<hbm>> -> memref<80x128xf32, #tpu.memory_space<hbm>>
        tpu.enqueue_dma source(%dma_start3A_171 : memref<80x128xf32, #tpu.memory_space<hbm>>) target(%arg11 : memref<80x128xf32, #tpu.memory_space<vmem>>) target_semaphore(%arg16 : memref<!tpu.dma_semaphore, #tpu.memory_space<semaphore_mem>>)
      } else {
      }
      %mul3A_133 = arith.constant 4 : i32
      %mul3A_134 = arith.muli %mul3A_133, %scan3A_57 : i32
      %add3A_135 = arith.constant 3 : i32
      %add3A_136 = arith.addi %mul3A_134, %add3A_135 : i32
      %dma_wait3A_137 = tpu.memref_slice %arg3[%mul3A_2] : memref<320000xi32, #tpu.memory_space<hbm>> -> memref<80xi32, #tpu.memory_space<hbm>>
      %dma_wait3A_138 = tpu.memref_slice %arg3[%mul3A_2] : memref<320000xi32, #tpu.memory_space<hbm>> -> memref<80xi32, #tpu.memory_space<hbm>>
      tpu.wait_dma2 semaphore(%arg18 : memref<!tpu.dma_semaphore, #tpu.memory_space<semaphore_mem>>) src(%dma_wait3A_138 : memref<80xi32, #tpu.memory_space<hbm>>) dst(%arg9 : memref<80xi32, #tpu.memory_space<vmem>>)
      %dma_wait3A_139 = arith.constant 0 : i32
      %dma_wait3A_140 = tpu.memref_slice %arg2[%mul3A_2, %dma_wait3A_139] : memref<320000x128xf32, #tpu.memory_space<hbm>> -> memref<80x128xf32, #tpu.memory_space<hbm>>
      %dma_wait3A_141 = arith.constant 0 : i32
      %dma_wait3A_142 = tpu.memref_slice %arg2[%mul3A_2, %dma_wait3A_141] : memref<320000x128xf32, #tpu.memory_space<hbm>> -> memref<80x128xf32, #tpu.memory_space<hbm>>
      tpu.wait_dma2 semaphore(%arg18 : memref<!tpu.dma_semaphore, #tpu.memory_space<semaphore_mem>>) src(%dma_wait3A_142 : memref<80x128xf32, #tpu.memory_space<hbm>>) dst(%arg13 : memref<80x128xf32, #tpu.memory_space<vmem>>)
      %dma_start3A_143 = arith.constant 0 : i32
      %dma_start3A_144 = arith.constant 0 : i32
      %dma_start3A_145 = tpu.memref_slice %arg14[%dma_start3A_143, %dma_start3A_144] : memref<10240x128xf32, #tpu.memory_space<vmem_shared>> -> memref<10240x128xf32, #tpu.memory_space<vmem_shared>>
      tpu.enqueue_indirect_dma source(%arg13 : memref<80x128xf32, #tpu.memory_space<vmem>>) target(%dma_start3A_145 : memref<10240x128xf32, #tpu.memory_space<vmem_shared>>) offsets(%arg9 : memref<80xi32, #tpu.memory_space<vmem>>) semaphore(%arg22 : memref<!tpu.dma_semaphore, #tpu.memory_space<semaphore_mem>>) {add = true}
      %dma_wait3A_146 = arith.constant 0 : i32
      %dma_wait3A_147 = arith.constant 0 : i32
      %dma_wait3A_148 = tpu.memref_slice %arg14[%dma_wait3A_146, %dma_wait3A_147] : memref<10240x128xf32, #tpu.memory_space<vmem_shared>> -> memref<10240x128xf32, #tpu.memory_space<vmem_shared>>
      tpu.wait_indirect_dma semaphore(%arg21 : memref<!tpu.dma_semaphore, #tpu.memory_space<semaphore_mem>>) src(%arg12 : memref<80x128xf32, #tpu.memory_space<vmem>>) dst(%dma_wait3A_148 : memref<10240x128xf32, #tpu.memory_space<vmem_shared>>)
      %add3A_149 = arith.constant 4 : i32
      %add3A_150 = arith.addi %add3A_136, %add3A_149 : i32
      %sub3A_151 = arith.constant 1 : i32
      %sub3A_152 = arith.subi %add3A_150, %sub3A_151 : i32
      %lt3A_153 = arith.constant 125 : i32
      %lt3A_154 = arith.cmpi slt, %sub3A_152, %lt3A_153 : i32
      %convert_element_type3A_155 = arith.extui %lt3A_154 : i1 to i32
      %cond3A_156 = arith.constant 0 : i32
      %cond3A_157 = arith.cmpi ne, %convert_element_type3A_155, %cond3A_156 : i32
      scf.if %cond3A_157 {
        %add3A_158 = arith.constant 4 : i32
        %add3A_159 = arith.addi %add3A_136, %add3A_158 : i32
        %sub3A_160 = arith.constant 1 : i32
        %sub3A_161 = arith.subi %add3A_159, %sub3A_160 : i32
        %mul3A_162 = arith.constant 80 : i32
        %mul3A_163 = arith.muli %sub3A_161, %mul3A_162 : i32
        %add3A_164 = arith.addi %mul3A_2, %mul3A_163 : i32
        %multiple_of3A_165 = tpu.assume_multiple %add3A_164, 8 : i32
        %dma_start3A_166 = tpu.memref_slice %arg3[%multiple_of3A_165] : memref<320000xi32, #tpu.memory_space<hbm>> -> memref<80xi32, #tpu.memory_space<hbm>>
        %dma_start3A_167 = tpu.memref_slice %arg3[%multiple_of3A_165] : memref<320000xi32, #tpu.memory_space<hbm>> -> memref<80xi32, #tpu.memory_space<hbm>>
        tpu.enqueue_dma source(%dma_start3A_167 : memref<80xi32, #tpu.memory_space<hbm>>) target(%arg8 : memref<80xi32, #tpu.memory_space<vmem>>) target_semaphore(%arg17 : memref<!tpu.dma_semaphore, #tpu.memory_space<semaphore_mem>>)
        %dma_start3A_168 = arith.constant 0 : i32
        %dma_start3A_169 = tpu.memref_slice %arg2[%multiple_of3A_165, %dma_start3A_168] : memref<320000x128xf32, #tpu.memory_space<hbm>> -> memref<80x128xf32, #tpu.memory_space<hbm>>
        %dma_start3A_170 = arith.constant 0 : i32
        %dma_start3A_171 = tpu.memref_slice %arg2[%multiple_of3A_165, %dma_start3A_170] : memref<320000x128xf32, #tpu.memory_space<hbm>> -> memref<80x128xf32, #tpu.memory_space<hbm>>
        tpu.enqueue_dma source(%dma_start3A_171 : memref<80x128xf32, #tpu.memory_space<hbm>>) target(%arg12 : memref<80x128xf32, #tpu.memory_space<vmem>>) target_semaphore(%arg17 : memref<!tpu.dma_semaphore, #tpu.memory_space<semaphore_mem>>)
      } else {
      }
    }
    %scan3A_38 = arith.constant 31 : i32
    %dma_wait3A = tpu.memref_slice %arg3[%mul3A_2] : memref<320000xi32, #tpu.memory_space<hbm>> -> memref<80xi32, #tpu.memory_space<hbm>>
    %dma_wait3A_39 = tpu.memref_slice %arg3[%mul3A_2] : memref<320000xi32, #tpu.memory_space<hbm>> -> memref<80xi32, #tpu.memory_space<hbm>>
    tpu.wait_dma2 semaphore(%arg15 : memref<!tpu.dma_semaphore, #tpu.memory_space<semaphore_mem>>) src(%dma_wait3A_39 : memref<80xi32, #tpu.memory_space<hbm>>) dst(%arg6 : memref<80xi32, #tpu.memory_space<vmem>>)
    %dma_wait3A_40 = arith.constant 0 : i32
    %dma_wait3A_41 = tpu.memref_slice %arg2[%mul3A_2, %dma_wait3A_40] : memref<320000x128xf32, #tpu.memory_space<hbm>> -> memref<80x128xf32, #tpu.memory_space<hbm>>
    %dma_wait3A_42 = arith.constant 0 : i32
    %dma_wait3A_43 = tpu.memref_slice %arg2[%mul3A_2, %dma_wait3A_42] : memref<320000x128xf32, #tpu.memory_space<hbm>> -> memref<80x128xf32, #tpu.memory_space<hbm>>
    tpu.wait_dma2 semaphore(%arg15 : memref<!tpu.dma_semaphore, #tpu.memory_space<semaphore_mem>>) src(%dma_wait3A_43 : memref<80x128xf32, #tpu.memory_space<hbm>>) dst(%arg10 : memref<80x128xf32, #tpu.memory_space<vmem>>)
    %dma_start3A_44 = arith.constant 0 : i32
    %dma_start3A_45 = arith.constant 0 : i32
    %dma_start3A_46 = tpu.memref_slice %arg14[%dma_start3A_44, %dma_start3A_45] : memref<10240x128xf32, #tpu.memory_space<vmem_shared>> -> memref<10240x128xf32, #tpu.memory_space<vmem_shared>>
    tpu.enqueue_indirect_dma source(%arg10 : memref<80x128xf32, #tpu.memory_space<vmem>>) target(%dma_start3A_46 : memref<10240x128xf32, #tpu.memory_space<vmem_shared>>) offsets(%arg6 : memref<80xi32, #tpu.memory_space<vmem>>) semaphore(%arg19 : memref<!tpu.dma_semaphore, #tpu.memory_space<semaphore_mem>>) {add = true}
    %dma_wait3A_47 = arith.constant 0 : i32
    %dma_wait3A_48 = arith.constant 0 : i32
    %dma_wait3A_49 = tpu.memref_slice %arg14[%dma_wait3A_47, %dma_wait3A_48] : memref<10240x128xf32, #tpu.memory_space<vmem_shared>> -> memref<10240x128xf32, #tpu.memory_space<vmem_shared>>
    tpu.wait_indirect_dma semaphore(%arg22 : memref<!tpu.dma_semaphore, #tpu.memory_space<semaphore_mem>>) src(%arg13 : memref<80x128xf32, #tpu.memory_space<vmem>>) dst(%dma_wait3A_49 : memref<10240x128xf32, #tpu.memory_space<vmem_shared>>)
    %dma_wait3A_50 = arith.constant 0 : i32
    %dma_wait3A_51 = arith.constant 0 : i32
    %dma_wait3A_52 = tpu.memref_slice %arg14[%dma_wait3A_50, %dma_wait3A_51] : memref<10240x128xf32, #tpu.memory_space<vmem_shared>> -> memref<10240x128xf32, #tpu.memory_space<vmem_shared>>
    tpu.wait_indirect_dma semaphore(%arg19 : memref<!tpu.dma_semaphore, #tpu.memory_space<semaphore_mem>>) src(%arg10 : memref<80x128xf32, #tpu.memory_space<vmem>>) dst(%dma_wait3A_52 : memref<10240x128xf32, #tpu.memory_space<vmem_shared>>)
    %barrier3A_53 = arith.constant 0 : index
    tpu.barrier barrier_id(%barrier3A_53)
    %mul3A_54 = arith.constant 640 : i32
    %mul3A_55 = arith.muli %arg1, %mul3A_54 : i32
    %multiple_of3A_56 = tpu.assume_multiple %mul3A_55, 8 : i32
    "tpu.region"() ({
      %run_scoped3A = tpu.sem_alloc : memref<!tpu.dma_semaphore, #tpu.memory_space<semaphore_mem>>
      %dma_start3A_57 = arith.constant 0 : i32
      %dma_start3A_58 = tpu.memref_slice %arg5[%arg0, %multiple_of3A_56, %dma_start3A_57] : memref<2x10240x128xf32, #tpu.memory_space<hbm>> -> memref<1x640x128xf32, #tpu.memory_space<hbm>>
      %dma_start3A_59 = tpu.memref_squeeze %dma_start3A_58 : memref<1x640x128xf32, #tpu.memory_space<hbm>> -> memref<640x128xf32, #tpu.memory_space<hbm>>
      %dma_start3A_60 = arith.constant 0 : i32
      %dma_start3A_61 = tpu.memref_slice %arg14[%multiple_of3A_56, %dma_start3A_60] : memref<10240x128xf32, #tpu.memory_space<vmem_shared>> -> memref<640x128xf32, #tpu.memory_space<vmem_shared>>
      tpu.enqueue_dma source(%dma_start3A_61 : memref<640x128xf32, #tpu.memory_space<vmem_shared>>) target(%dma_start3A_59 : memref<640x128xf32, #tpu.memory_space<hbm>>) target_semaphore(%run_scoped3A : memref<!tpu.dma_semaphore, #tpu.memory_space<semaphore_mem>>)
      %dma_wait3A_62 = arith.constant 0 : i32
      %dma_wait3A_63 = tpu.memref_slice %arg5[%arg0, %multiple_of3A_56, %dma_wait3A_62] : memref<2x10240x128xf32, #tpu.memory_space<hbm>> -> memref<1x640x128xf32, #tpu.memory_space<hbm>>
      %dma_wait3A_64 = tpu.memref_squeeze %dma_wait3A_63 : memref<1x640x128xf32, #tpu.memory_space<hbm>> -> memref<640x128xf32, #tpu.memory_space<hbm>>
      %dma_wait3A_65 = arith.constant 0 : i32
      %dma_wait3A_66 = tpu.memref_slice %arg14[%multiple_of3A_56, %dma_wait3A_65] : memref<10240x128xf32, #tpu.memory_space<vmem_shared>> -> memref<640x128xf32, #tpu.memory_space<vmem_shared>>
      tpu.wait_dma2 semaphore(%run_scoped3A : memref<!tpu.dma_semaphore, #tpu.memory_space<semaphore_mem>>) src(%dma_wait3A_66 : memref<640x128xf32, #tpu.memory_space<vmem_shared>>) dst(%dma_wait3A_64 : memref<640x128xf32, #tpu.memory_space<hbm>>)
      tpu.yield
    }) : () -> ()
    return
  }
}

module attributes {stable_mosaic.version = 14 : i64} {
  func.func @_combine_body(%arg0: i32, %arg1: memref<2x5000x128xf32, #tpu.memory_space<vmem>>, %arg2: memref<5000x128xf32, #tpu.memory_space<vmem>>, %arg3: memref<5000x128xf32, #tpu.memory_space<vmem>>) attributes {dimension_semantics = [#tpu.dimension_semantics<arbitrary>], iteration_bounds = array<i64: 2>, scalar_prefetch = 0 : i64, scratch_operands = 0 : i64, tpu.core_type = #tpu.core_type<tc>, window_params = [{transform_indices = @transform_0, window_bounds = array<i64: 2, 5000, 128>}, {transform_indices = @transform_1, window_bounds = array<i64: 5000, 128>}, {transform_indices = @transform_2, window_bounds = array<i64: 5000, 128>}]} {
    %get3A = arith.constant 0 : index
    %get3A_0 = arith.constant 0 : index
    %get3A_1 = arith.constant 0 : index
    %get3A_2 = vector.load %arg1[%get3A, %get3A_0, %get3A_1] : memref<2x5000x128xf32, #tpu.memory_space<vmem>>, vector<1x5000x128xf32>
    %get3A_3 = vector.shape_cast %get3A_2 : vector<1x5000x128xf32> to vector<5000x128xf32>
    %get3A_4 = arith.constant 1 : index
    %get3A_5 = arith.constant 0 : index
    %get3A_6 = arith.constant 0 : index
    %get3A_7 = vector.load %arg1[%get3A_4, %get3A_5, %get3A_6] : memref<2x5000x128xf32, #tpu.memory_space<vmem>>, vector<1x5000x128xf32>
    %get3A_8 = vector.shape_cast %get3A_7 : vector<1x5000x128xf32> to vector<5000x128xf32>
    %add3A = arith.addf %get3A_3, %get3A_8 : vector<5000x128xf32>
    %get3A_9 = arith.constant 0 : index
    %get3A_10 = arith.constant 0 : index
    %get3A_11 = vector.load %arg2[%get3A_9, %get3A_10] : memref<5000x128xf32, #tpu.memory_space<vmem>>, vector<5000x128xf32>
    %sub3A = arith.subf %add3A, %get3A_11 : vector<5000x128xf32>
    %swap3A = arith.constant 0 : index
    %swap3A_12 = arith.constant 0 : index
    %swap3A_13 = vector.load %arg3[%swap3A, %swap3A_12] : memref<5000x128xf32, #tpu.memory_space<vmem>>, vector<5000x128xf32>
    tpu.vector_store %arg3[%swap3A, %swap3A_12], %sub3A {strides = array<i32>} : memref<5000x128xf32, #tpu.memory_space<vmem>>, vector<5000x128xf32>,
    return
  }
  func.func @transform_0(%arg0: i32) -> (i32, i32, i32) {
    %c0_i32 = arith.constant 0 : i32
    %c0_i32_0 = arith.constant 0 : i32
    %c0_i32_1 = arith.constant 0 : i32
    return %c0_i32, %arg0, %c0_i32_0 : i32, i32, i32
  }
  func.func @transform_1(%arg0: i32) -> (i32, i32) {
    %c0_i32 = arith.constant 0 : i32
    %c0_i32_0 = arith.constant 0 : i32
    return %arg0, %c0_i32 : i32, i32
  }
  func.func @transform_2(%arg0: i32) -> (i32, i32) {
    %c0_i32 = arith.constant 0 : i32
    %c0_i32_0 = arith.constant 0 : i32
    return %arg0, %c0_i32 : i32, i32
  }
}

</mosaic_0001>

<sc_bundles>
// kernel: kernel.4.cloned.1.call-start
scs
__scs_entry_jumppad:
0x0: {  	(pc) =	sbr.rel $0x88, $3  }
0x1: {  	(tag) =	ssettag $0x0;
	lr =	simm.s32 $0x1  }
0x2: {  	[smem:$0x3F9E] =	sst lr;
	_ =	strace $0xD0000000  }
0x3: {  	_ = 	snop  }
0x4: {  	_ = 	snop  }
0x5: {  	_ = 	snop  }
0x6: {  	_ = 	snop  }
0x7: {  	_ = 	snop  }
__scs_overlays_trampoline_lowered:
0x8: {  	[smem:$0x3FAD] =	sst s0  }
0x9: {  	[smem:$0x3FAE] =	sst s1  }
0xa: {  	[smem:$0x3FAF] =	sst s2  }
0xb: {  	[smem:$0x3FB0] =	sst s3  }
0xc: {  	[smem:$0x3FB1] =	sst s4  }
0xd: {  	[smem:$0x3FB2] =	sst s5  }
0xe: {  	[smem:$0x3FB3] =	sst s6  }
0xf: {  	[smem:$0x3FB4] =	sst s7  }
0x10: {  	[smem:$0x3FB5] =	sst s8  }
0x11: {  	[smem:$0x3FB6] =	sst s9;
	s0 =	simm.s32 @!p0 $0x0  }
0x12: {  	s1 =	sld [smem:$0x3F9C];
	s0 =	simm.s32 @p0 $0x1  }
0x13: {  	[smem:$0x3FB7] =	sst s0;
	s0 =	simm.s32 @!p1 $0x0  }
0x14: {  	s2 =	sld [smem:$0x3F9B];
	s0 =	simm.s32 @p1 $0x1  }
0x15: {  	[smem:$0x3FB8] =	sst s0;
	s0 =	simm.s32 @!p2 $0x0  }
0x16: {  	s3 =	sld [smem:$0x3FDB];
	s0 =	simm.s32 @p2 $0x1  }
0x17: {  	s4 =	simm.s32 $0x1BF5;
	[smem:$0x3FBA] =	sst s0  }
0x18: {  	s0 =	sld [smem:$0x3F9D];
	_ =	swait.ge [sflag:s4], $0x0  }
0x19: {  	s7 =	sld [smem:$0x3F9E]  }
0x1a: {  	s8 =	sadd.s32 $0xFFFFE003, lr  }
0x1b: {  	s9 =	sadd.s32 $0xFFFFFEF7, lr;
	s5 =	simm.s32 $0xFFFFFFFF;
	p2 =	slt.u32 s8, $0xFFFFF086  }
0x1c: {  	p1 =	slt.u32 s9, $0xF7A;
	s5 =	simm.s32 @!p2 $0x0  }
0x1d: {  	s5 =	simm.s32 @p1 $0x1;
	p0 =	seq.s32 s7, s2  }
0x1e: {  	s7 =	smul.u32 @!p0 $0xF7A, s2;
	p2 =	seq.s32 @!p0 s5, $0x0  }
0x1f: {  	s9 =	smul.u32 $0xF7A, s1;
	s8 =	simm.s32 @!p0 $0x1BF5;
	p2 =	por !p2, p0  }
0x20: {  	[sflag:s8] =	ssyncset.s32 @!p0 $0xFFFFF086;
	s6 =	sadd.s32 @!p0 s3, s7;
	s7 =	simm.s32 @!p0 $0x108  }
0x21: {  	s3 =	sadd.s32 s3, s9;
	s6 =	sadd.s32 @!p0 $0x88, s6;
	s7 =	simm.s32 @p2 $0x1082  }
0x22: {  	[simem:s7], [sflag:s8] =	dma.local @!p0 [hbm:s6], $0xF7A  }
0x23: {  	s9 =	sor.u32 $0xD0000000, s2;
	s6 =	simm.s32 $0x108;
	_ =	swait.ge @!p0 [sflag:s8], $0x0  }
0x24: {  	s3 =	sadd.s32 $0x88, s3;
	s6 =	simm.s32 @!p1 $0x1082;
	[sflag:s4] =	ssyncset.s32 $0xFFFFF086  }
0x25: {  	[simem:s6], [sflag:s4] =	dma.local [hbm:s3], $0xF7A  }
0x26: {  	[smem:$0x3F9E] =	sst s1;
	(tag) =	ssettag s2;
	_ =	strace s9  }
0x27: {  	s1 =	sld [smem:$0x3FAE]  }
0x28: {  	s2 =	sld [smem:$0x3FAF]  }
0x29: {  	s4 =	sld [smem:$0x3FB1]  }
0x2a: {  	p0 =	seq.s32 s5, $0x0;
	s5 =	sld [smem:$0x3FB2]  }
0x2b: {  	s6 =	sld [smem:$0x3FB3]  }
0x2c: {  	s7 =	sld [smem:$0x3FB4]  }
0x2d: {  	s3 =	simm.s32 $0x108;
	s8 =	sld [smem:$0x3FB5]  }
0x2e: {  	s3 =	simm.s32 @!p0 $0x1082;
	s9 =	sld [smem:$0x3FB6]  }
0x2f: {  	lr =	sadd.s32 s0, s3;
	s0 =	sld [smem:$0x3FAD]  }
0x30: {  	s3 =	sld [smem:$0x3FB0]  }
0x31: {  	[smem:$0x3FB9] =	sst s10  }
0x32: {  	s10 =	sld [smem:$0x3FB7];
	_ =	sdelay $0x3  }
0x33: {  	p0 =	seq.s32 s10, $0x1;
	s10 =	sld [smem:$0x3FB9];
	_ =	sdelay $0x3  }
0x34: {  	[smem:$0x3FB9] =	sst s10  }
0x35: {  	s10 =	sld [smem:$0x3FB8];
	_ =	sdelay $0x3  }
0x36: {  	p1 =	seq.s32 s10, $0x1;
	s10 =	sld [smem:$0x3FB9];
	_ =	sdelay $0x3  }
0x37: {  	[smem:$0x3FB9] =	sst s10  }
0x38: {  	s10 =	sld [smem:$0x3FBA]  }
0x39: {  	_ = 	snop;
	(pc) =	sbr.ind lr, $3  }
0x3a: {  	_ = 	snop  }
0x3b: {  	_ = 	snop  }
0x3c: {  	p2 =	seq.s32 s10, $0x1;
	s10 =	sld [smem:$0x3FB9]  }
0x3d: {  	_ =	shalt  }
0x3e: {  	_ =	shalt  }
0x3f: {  	_ =	shalt  }
0x40: {  	_ =	shalt  }
0x41: {  	_ =	shalt  }
0x42: {  	_ =	shalt  }
0x43: {  	_ =	shalt  }
0x44: {  	_ =	shalt  }
0x45: {  	_ =	shalt  }
0x46: {  	_ =	shalt  }
0x47: {  	_ =	shalt  }
0x48: {  	_ =	shalt  }
0x49: {  	_ =	shalt  }
0x4a: {  	_ =	shalt  }
0x4b: {  	_ =	shalt  }
0x4c: {  	_ =	shalt  }
0x4d: {  	_ =	shalt  }
0x4e: {  	_ =	shalt  }
0x4f: {  	_ =	shalt  }
0x50: {  	_ =	shalt  }
0x51: {  	_ =	shalt  }
0x52: {  	_ =	shalt  }
0x53: {  	_ =	shalt  }
0x54: {  	_ =	shalt  }
0x55: {  	_ =	shalt  }
0x56: {  	_ =	shalt  }
0x57: {  	_ =	shalt  }
0x58: {  	_ =	shalt  }
0x59: {  	_ =	shalt  }
0x5a: {  	_ =	shalt  }
0x5b: {  	_ =	shalt  }
0x5c: {  	_ =	shalt  }
0x5d: {  	_ =	shalt  }
0x5e: {  	_ =	shalt  }
0x5f: {  	_ =	shalt  }
0x60: {  	_ =	shalt  }
0x61: {  	_ =	shalt  }
0x62: {  	_ =	shalt  }
0x63: {  	_ =	shalt  }
0x64: {  	_ =	shalt  }
0x65: {  	_ =	shalt  }
0x66: {  	_ =	shalt  }
0x67: {  	_ =	shalt  }
0x68: {  	_ =	shalt  }
0x69: {  	_ =	shalt  }
0x6a: {  	_ =	shalt  }
0x6b: {  	_ =	shalt  }
0x6c: {  	_ =	shalt  }
0x6d: {  	_ =	shalt  }
0x6e: {  	_ =	shalt  }
0x6f: {  	_ =	shalt  }
0x70: {  	_ =	shalt  }
0x71: {  	_ =	shalt  }
0x72: {  	_ =	shalt  }
0x73: {  	_ =	shalt  }
0x74: {  	_ =	shalt  }
0x75: {  	_ =	shalt  }
0x76: {  	_ =	shalt  }
0x77: {  	_ =	shalt  }
0x78: {  	_ =	shalt  }
0x79: {  	_ =	shalt  }
0x7a: {  	_ =	shalt  }
0x7b: {  	_ =	shalt  }
0x7c: {  	_ =	shalt  }
0x7d: {  	_ =	shalt  }
0x7e: {  	_ =	shalt  }
0x7f: {  	_ =	shalt  }
0x80: {  	_ =	shalt  }
0x81: {  	_ =	shalt  }
0x82: {  	_ =	shalt  }
0x83: {  	_ =	shalt  }
0x84: {  	_ =	shalt  }
0x85: {  	_ =	shalt  }
0x86: {  	_ =	shalt  }
0x87: {  	_ =	shalt  }
.Lfunc_end0:
.L_simem_size_0:
called_computation_lowered:
.L_overlay_start_0:
0x88: {  	s2 =	sld [smem:$0x3FD9]  }
0x89: {  	s3 =	sld [smem:$0x3FFE];
	_ =	sdelay $0x1  }
0x8a: {  	s1 =	srdreg.scid  }
0x8b: {  	s0 =	sand.u32 $0x1, s1  }
0x8c: {  	s17 =	sshll.u32 s0, $0xA;
	s2 =	sadd.s32 s3, s2  }
0x8d: {  	s2 =	sadd.s32 s2, s17  }
0x8e: {  	[smem:$0x3FC5] =	sst s2  }
0x8f: {  	_ = 	snop  }
0x90: {  	s2 =	sld [smem:$0x3FC9]  }
0x91: {  	s18 =	sld [smem:$0x3FC8]  }
0x92: {  	s4 =	sld [smem:$0x3FC7];
	(tm) =	ssettm $0x1  }
0x93: {  	s5 =	sld [smem:$0x3FFB];
	_ =	sdelay $0x3  }
0x94: {  	_ =	strace s5  }
0x95: {  	s5 =	sld [smem:$0x3FFC];
	_ =	sdelay $0x3  }
0x96: {  	_ =	strace s5  }
0x97: {  	s5 =	sld [smem:$0x3FFD];
	_ =	sdelay $0x3  }
0x98: {  	_ =	strace s5  }
0x99: {  	_ =	strace $0x8FFFFFFF  }
0x9a: {  	s19 =	sld [smem:$0x3FDB];
	_ =	sdelay $0x1  }
0x9b: {  	s6 =	simm.s32 $_scs_section_size  }
0x9c: {  	s7 =	simm.s32 $_size__tile_overlayer_lowered;
	s8 =	simm.s32 $_tile_overlayer_lowered  }
0x9d: {  	s22 =	simm.s32 $0x1BFF;
	s21 =	sshll.u32 s8, $0x1;
	s5 =	sadd.s32 s6, s19  }
0x9e: {  	s9 =	simm.s32 $0x0;
	s20 =	sshll.u32 s7, $0x1;
	s7 =	sadd.s32 s21, s5  }
0x9f: {  	[timem:s9], [sflag:s22] =	dma.local [hbm:s7], s20  }
0xa0: {  	_ =	swait.ge [sflag:s22], s20  }
0xa1: {  	s6 =	ssub.s32 $0x0, s20;
	[sflag:s22] =	ssyncset.done $0x0  }
0xa2: {  	[sflag:s22] =	ssyncadd.s32 s6;
	_ =	sdelay $0x1  }
0xa3: {  	s23 =	simm.s32 $0x1B8B  }
0xa4: {  	_ =	swait.ge [sflag:s23], $0x1  }
0xa5: {  	[sflag:s23] =	ssyncset.done $0x0  }
0xa6: {  	s25 =	simm.s32 $0x1B8E;
	s24 =	sld [smem:$0x3FFE];
	[sflag:s23] =	ssyncadd.s32 $0xFFFFFFFF  }
0xa7: {  	s26 =	simm.s32 $execute0_lowered;
	[smem:$0x3FD2] =	sst s25  }
0xa8: {  	s7 =	sshll.u32 s26, $0x1;
	_ =	strace $0x80000046;
	[dreg:$0x1] =	wrdreg $0xFFFFFFFF  }
0xa9: {  	s28 =	simm.s32 $_size_execute0_lowered;
	s5 =	sadd.s32 s5, s7;
	[dreg:$0x0] =	wrdreg $0x0  }
0xaa: {  	s7 =	sshll.u32 s28, $0x1;
	[dreg:$0x2] =	wrdreg s5  }
0xab: {  	[dreg:$0x3] =	wrdreg s7  }
0xac: {  	[dreg:$0x4] =	wrdreg $0xC0  }
0xad: {  	_ =	task [dreg:s9], $0x5FFFF  }
0xae: {  	[dreg:$0x1] =	wrdreg $0xFFFFFFFF  }
0xaf: {  	[dreg:$0x0] =	wrdreg $0x60  }
0xb0: {  	[dreg:$0x2] =	wrdreg s2  }
0xb1: {  	[dreg:$0x3] =	wrdreg s18  }
0xb2: {  	[dreg:$0x4] =	wrdreg s4  }
0xb3: {  	[dreg:$0x5] =	wrdreg s24  }
0xb4: {  	[dreg:$0x6] =	wrdreg $0xA2000  }
0xb5: {  	[dreg:$0x7] =	wrdreg $0x9  }
0xb6: {  	_ =	task.clear_ibuf [dreg:s9], $0x8FFFF;
	_ =	strace $0x90000046  }
0xb7: {  	s29 =	simm.s32 $0x9;
	_ =	strace $0x80000048  }
0xb8: {  	_ =	swait.ge [sflag:s29], $0x1  }
0xb9: {  	[sflag:s29] =	ssyncadd.s32 $0xFFFFFFFF  }
0xba: {  	_ =	strace $0x90000048  }
0xbb: {  	_ =	sfence  }
0xbc: {  	s30 =	sld [smem:$0x0];
	_ =	sdelay $0x2  }
0xbd: {  	s31 =	sshll.u32 s1, $0xD;
	s1 =	sshrl.u32 s1, $0x2  }
0xbe: {  	s3 =	sand.u32 $0x4000, s31;
	s1 =	sadd.s32 s1, s30  }
0xbf: {  	s0 =	sor.u32 s3, s0;
	s1 =	sshll.u32 s1, $0x11  }
0xc0: {  	s0 =	sor.u32 s1, s0  }
0xc1: {  	s0 =	sadd.s32 $0x8F2B, s0  }
0xc2: {  	[sflag:s0] =	ssyncadd.remote.s32 $0x1  }
0xc3: {  	_ =	sfence.sel $0xFFFF  }
0xc4: {  	[dreg:$0x0] =	wrdreg $0xFFFFFFFF;
	(pc) =	sbr.abs _section_cstart, $3  }
0xc5: {  	[dreg:$0x1] =	wrdreg $0xFFFFFFFF  }
0xc6: {  	_ =	task.clear_ibuf [dreg:s9], $0x2FFFF;
	_ =	strace $0x9FFFFFFF  }
0xc7: {  	(tm) =	ssettm $0x7FFFFFFF  }
tec
execute0_lowered:
.L_overlay_start_1:
0x0: {  	(tag) =	ssettag $0x1  }
0x1: {  	s0 =	rddreg [dreg:$0x0]  }
0x2: {  	s1 =	rddreg [dreg:$0x1]  }
0x3: {  	s2 =	rddreg [dreg:$0x2]  }
0x4: {  	s3 =	rddreg [dreg:$0x3];
	s5 =	srdreg.scid  }
0x5: {  	s4 =	rddreg [dreg:$0x4];
	s12 =	stileid.u32;
	s28 =	simm.s32 $0x5200  }
0x6: {  	s29 =	simm.s32 $0x1;
	s30 =	simm.s32 $0x50;
	s8 =	smul.u32 $0x14000, s12  }
0x7: {  	s31 =	simm.s32 $0x180;
	s6 =	sand.u32 $0x1, s5;
	s20 =	smul.u32 $0x2700, s12  }
0x8: {  	s5 =	simm.s32 $0x0;
	s23 =	smul.u32 $0x50000, s12;
	p0 =	seq.s32 s12, $0xF  }
0x9: {  	s7 =	smul.u32 $0x140000, s6;
	[smem:$0x7FF] =	sst s5;
	s9 =	sshll.u32 s6, $0x4  }
0xa: {  	s26 =	ssub.s32 $0x2, s6;
	_ =	strace $0x80000047;
	s25 =	sor.u32 s12, s9  }
0xb: {  	s10 =	sshrl.u32 s26, $0x1;
	s22 =	sadd.s32 s2, s20;
	s2 =	sadd.s32 $0x24900, s2  }
0xc: {  	s20 =	simm.s32 $0x200;
	s6 =	smul.u32 $0x2710, s25;
	[dreg:$0xc] =	wrdreg s22  }
0xd: {  	s7 =	sadd.s32 s8, s7;
	s8 =	smul.u32 $0x27100, s25;
	[dreg:$0xd] =	wrdreg s2  }
0xe: {  	s25 =	sshrl.u32 s23, $0x2;
	s22 =	simm.s32 $0x2A00;
	s7 =	sshrl.u32 s7, $0x3  }
0xf: {  	s2 =	sadd.s32 s25, s4;
	s3 =	sadd.s32 s7, s3;
	s7 =	ssub.s32 s26, s10  }
0x10: {  	s11 =	sshrl.u32 s6, $0x3;
	s10 =	sadd.s32 $0x50, s6;
	s8 =	sadd.s32 s0, s8  }
0x11: {  	s15 =	sadd.s32 $0xA0, s6;
	s25 =	sshrl.u32 s2, $0x3;
	s2 =	simm.s32 $0x7A00  }
0x12: {  	s9 =	sadd.s32 s1, s11;
	[dreg:$0x7] =	wrdreg s8;
	s13 =	sshrl.u32 s10, $0x3  }
0x13: {  	s14 =	sshll.u32 s10, $0x4;
	s11 =	smul.u32 $0x4E000, s12;
	s17 =	sshrl.u32 s15, $0x3  }
0x14: {  	s18 =	sshll.u32 s15, $0x4;
	s15 =	sadd.s32 $0x140, s6;
	s24 =	sadd.s32 $0x800, s3  }
0x15: {  	s26 =	smax.u32 s7, $0x1;
	s7 =	simm.s32 $0x5;
	s10 =	simm.s32 $0x4  }
0x16: {  	s12 =	simm.s32 $0x8;
	[dreg:$0x6] =	wrdreg s9;
	s8 =	sadd.s32 s1, s13  }
0x17: {  	s16 =	sadd.s32 s0, s14;
	s21 =	sadd.s32 s0, s18;
	[dreg:$0xe] =	wrdreg s24  }
0x18: {  	s9 =	sadd.s32 $0x124800, s4;
	[dreg:$0xf] =	wrdreg s26;
	s26 =	simm.s32 $0x100  }
0x19: {  	s13 =	simm.s32 $0x9;
	s14 =	simm.s32 $0x0;
	[dreg:$0x8] =	wrdreg s8  }
0x1a: {  	[dreg:$0x9] =	wrdreg s16;
	s19 =	sshrl.u32 s11, $0x2;
	s8 =	sadd.s32 s1, s17  }
.Ltmp0:
0x1b: {  	[dreg:$0xb] =	wrdreg s21;
	s16 =	sadd.s32 $0x190, s6;
	(pc) =	sbr.rel .LBB2_1-.Ltmp0, $4  }
0x1c: {  	s17 =	sadd.s32 $0x1E0, s6;
	s21 =	simm.s32 $0x80;
	s3 =	sshrl.u32 @p0 s9, $0x3  }
0x1d: {  	s9 =	simm.s32 $0x6;
	[dreg:$0xa] =	wrdreg s8;
	s8 =	sadd.s32 s19, s4  }
0x1e: {  	s11 =	simm.s32 $0x7;
	[dreg:$0x10] =	wrdreg s3;
	s3 =	sshrl.u32 @!p0 s8, $0x3  }
0x1f: {  	s8 =	simm.s32 $0x3;
	[dreg:$0x11] =	wrdreg s3;
	s3 =	simm.s32 $0x2  }
.LBB2_4:
0x20: {  	_ =	swait.ge [sflag:s10], $0x50  }
0x21: {  	[sflag:s10] =	ssyncset.done $0x0  }
0x22: {  	[sflag:s10] =	ssyncadd.s32 $0xFFFFFFB0  }
0x23: {  	_ =	swait.ge [sflag:s10], $0x2800  }
0x24: {  	[sflag:s10] =	ssyncset.done $0x0  }
0x25: {  	[sflag:s10] =	ssyncadd.s32 $0xFFFFD800  }
0x26: {  	[spmem:s4] =	stream.indirect.scatter.add.f32 [tilespmem:s2], [sflag:$0x8], $0x80, s31, s30, $0xb8;
	[tilespmem:$0x1E200] =	vst v63  }
0x27: {  	_ =	swait.ge [sflag:s11], $0x2800  }
0x28: {  	[sflag:s11] =	ssyncset.done $0x0  }
0x29: {  	[sflag:s11] =	ssyncadd.s32 $0xFFFFD800  }
0x2a: {  	_ =	swait.ge [sflag:s29], $0x50  }
0x2b: {  	[sflag:s29] =	ssyncset.done $0x0  }
0x2c: {  	[sflag:s29] =	ssyncadd.s32 $0xFFFFFFB0  }
0x2d: {  	_ =	swait.ge [sflag:s29], $0x2800  }
0x2e: {  	[sflag:s29] =	ssyncset.done $0x0  }
0x2f: {  	[sflag:s29] =	ssyncadd.s32 $0xFFFFD800  }
0x30: {  	[spmem:s4] =	stream.indirect.scatter.add.f32 [tilespmem:s20], [sflag:$0x5], $0x80, s5, s30, $0xb8;
	[tilespmem:$0x1E200] =	vst v63  }
0x31: {  	_ =	swait.ge [sflag:s12], $0x2800  }
0x32: {  	[sflag:s12] =	ssyncset.done $0x0  }
0x33: {  	[sflag:s12] =	ssyncadd.s32 $0xFFFFD800  }
0x34: {  	_ =	swait.ge [sflag:s7], $0x2800  }
0x35: {  	[sflag:s7] =	ssyncset.done $0x0  }
0x36: {  	s19 =	stileid.u32;
	[sflag:s7] =	ssyncadd.s32 $0xFFFFD800  }
0x37: {  	s18 =	sshll.u32 s19, $0x6;
	[bflag:$0x0] =	sbarrier.arrive $0xFFFF  }
0x38: {  	s18 =	sor.u32 $0x1C09, s18;
	s23 =	rddreg [dreg:$0xe]  }
0x39: {  	[hbm:s23], [sflag:s18] =	dma.local [spmem:s25], $0x2800  }
0x3a: {  	_ =	swait.ge [sflag:s13], $0x2800  }
0x3b: {  	s14 =	sadd.s32 $0x1, s14;
	s24 =	rddreg [dreg:$0xf]  }
0x3c: {  	p1 =	sne.s32 s14, s24  }
.Ltmp1:
0x3d: {  	_ = 	snop;
	(pc) =	sbr.rel @!p1 .LBB2_5-.Ltmp1, $3  }
0x3e: {  	_ =	sdelay $0x1  }
0x3f: {  	[sflag:s13] =	ssyncset.done $0x0  }
0x40: {  	[sflag:s13] =	ssyncadd.s32 $0xFFFFD800  }
.LBB2_1:
0x41: {  	s18 =	rddreg [dreg:$0x6]  }
0x42: {  	s23 =	rddreg [dreg:$0x7]  }
0x43: {  	s24 =	rddreg [dreg:$0x8]  }
0x44: {  	[tilespmem:s5], [sflag:$0x1] =	stream.linear.gather [hbm4b:s18+s5], $0x50, $0x38;
	[tilespmem:$0x1E200] =	vst v63  }
0x45: {  	s19 =	rddreg [dreg:$0x9]  }
0x46: {  	[tilespmem:s20], [sflag:$0x1] =	stream.linear.gather [hbm4b:s23+s5], $0x2800, $0x38;
	[tilespmem:$0x1E200] =	vst v63  }
0x47: {  	s23 =	rddreg [dreg:$0xa]  }
0x48: {  	[tilespmem:s21], [sflag:$0x2] =	stream.linear.gather [hbm4b:s24+s5], $0x50, $0x38;
	[tilespmem:$0x1E200] =	vst v63  }
0x49: {  	s24 =	rddreg [dreg:$0xb]  }
0x4a: {  	[tilespmem:s22], [sflag:$0x2] =	stream.linear.gather [hbm4b:s19+s5], $0x2800, $0x38;
	[tilespmem:$0x1E200] =	vst v63  }
0x4b: {  	s19 =	rddreg [dreg:$0xd]  }
0x4c: {  	[tilespmem:s26], [sflag:$0x3] =	stream.linear.gather [hbm4b:s23+s5], $0x50, $0x38;
	[tilespmem:$0x1E200] =	vst v63  }
0x4d: {  	s18 =	simm.s32 @p0 $0x1FC9;
	s23 =	rddreg [dreg:$0x10]  }
0x4e: {  	[tilespmem:s28], [sflag:$0x3] =	stream.linear.gather [hbm4b:s24+s5], $0x2800, $0x38;
	[tilespmem:$0x1E200] =	vst v63  }
0x4f: {  	[spmem:s23], [sflag:s18] =	dma.local @p0 [hbm:s19], $0x2800  }
0x50: {  	s18 =	simm.s32 @p0 $0x9  }
0x51: {  	s19 =	stileid.u32;
	_ =	swait.ge @p0 [sflag:s18], $0x2800  }
0x52: {  	s19 =	sshll.u32 @!p0 s19, $0x6;
	[sflag:s18] =	ssyncset.done @p0 $0x0;
	s23 =	rddreg [dreg:$0x11]  }
0x53: {  	[sflag:s18] =	ssyncadd.s32 @p0 $0xFFFFD800;
	s18 =	sor.u32 @!p0 $0x1C09, s19;
	s19 =	rddreg [dreg:$0xc]  }
0x54: {  	[spmem:s23], [sflag:s18] =	dma.local @!p0 [hbm:s19], $0x2700  }
0x55: {  	s18 =	simm.s32 @!p0 $0x9  }
0x56: {  	_ =	swait.ge @!p0 [sflag:s18], $0x2700  }
0x57: {  	[sflag:s18] =	ssyncset.done @!p0 $0x0  }
0x58: {  	[sflag:s18] =	ssyncadd.s32 @!p0 $0xFFFFD900  }
0x59: {  	s19 =	simm.s32 $0x0;
	[bflag:$0x0] =	sbarrier.arrive $0xFFFF  }
.LBB2_2:
0x5a: {  	_ =	swait.ge [sflag:s29], $0x50  }
0x5b: {  	[sflag:s29] =	ssyncset.done $0x0  }
0x5c: {  	[sflag:s29] =	ssyncadd.s32 $0xFFFFFFB0  }
0x5d: {  	p1 =	seq.s32 s19, $0x0;
	_ =	swait.ge [sflag:s29], $0x2800  }
0x5e: {  	s18 =	sadd.s32 @!p1 $0xF0, s19;
	[sflag:s29] =	ssyncset.done $0x0  }
0x5f: {  	s23 =	simm.s32 @!p1 $0x8;
	s18 =	simm.s32 @p1 $0xF0;
	[sflag:s29] =	ssyncadd.s32 $0xFFFFD800  }
0x60: {  	[spmem:s4] =	stream.indirect.scatter.add.f32 [tilespmem:s20], [sflag:$0x5], $0x80, s5, s30, $0xb8;
	[tilespmem:$0x1E200] =	vst v63  }
0x61: {  	s18 =	sadd.s32 s6, s18;
	_ =	swait.ge @!p1 [sflag:s23], $0x2800  }
0x62: {  	s24 =	sshrl.u32 s18, $0x3;
	[sflag:s23] =	ssyncset.done @!p1 $0x0  }
0x63: {  	s18 =	sshll.u32 s18, $0x4;
	s24 =	sadd.s32 s1, s24;
	[sflag:s23] =	ssyncadd.s32 @!p1 $0xFFFFD800  }
0x64: {  	[tilespmem:s31], [sflag:$0x4] =	stream.linear.gather [hbm4b:s24+s5], $0x50, $0x38;
	[tilespmem:$0x1E200] =	vst v63  }
0x65: {  	s18 =	sadd.s32 s0, s18  }
0x66: {  	[tilespmem:s2], [sflag:$0x4] =	stream.linear.gather [hbm4b:s18+s5], $0x2800, $0x38;
	[tilespmem:$0x1E200] =	vst v63  }
0x67: {  	_ =	swait.ge [sflag:s3], $0x50  }
0x68: {  	[sflag:s3] =	ssyncset.done $0x0  }
0x69: {  	[sflag:s3] =	ssyncadd.s32 $0xFFFFFFB0  }
0x6a: {  	_ =	swait.ge [sflag:s3], $0x2800  }
0x6b: {  	s18 =	smov.u32 s19;
	[sflag:s3] =	ssyncset.done $0x0  }
0x6c: {  	s18 =	simm.s32 @p1 $0x0;
	[sflag:s3] =	ssyncadd.s32 $0xFFFFD800  }
0x6d: {  	[spmem:s4] =	stream.indirect.scatter.add.f32 [tilespmem:s22], [sflag:$0x6], $0x80, s21, s30, $0xb8;
	[tilespmem:$0x1E200] =	vst v63  }
0x6e: {  	s23 =	sadd.s32 s18, s15;
	_ =	swait.ge [sflag:s7], $0x2800  }
0x6f: {  	s24 =	sshrl.u32 s23, $0x3;
	[sflag:s7] =	ssyncset.done $0x0  }
0x70: {  	s23 =	sshll.u32 s23, $0x4;
	s24 =	sadd.s32 s1, s24;
	[sflag:s7] =	ssyncadd.s32 $0xFFFFD800  }
0x71: {  	[tilespmem:s5], [sflag:$0x1] =	stream.linear.gather [hbm4b:s24+s5], $0x50, $0x38;
	[tilespmem:$0x1E200] =	vst v63  }
0x72: {  	s23 =	sadd.s32 s0, s23  }
0x73: {  	[tilespmem:s20], [sflag:$0x1] =	stream.linear.gather [hbm4b:s23+s5], $0x2800, $0x38;
	[tilespmem:$0x1E200] =	vst v63  }
0x74: {  	_ =	swait.ge [sflag:s8], $0x50  }
0x75: {  	[sflag:s8] =	ssyncset.done $0x0  }
0x76: {  	[sflag:s8] =	ssyncadd.s32 $0xFFFFFFB0  }
0x77: {  	_ =	swait.ge [sflag:s8], $0x2800  }
0x78: {  	p1 =	seq.s32 s19, $0x2580;
	[sflag:s8] =	ssyncset.done $0x0  }
.Ltmp2:
0x79: {  	[sflag:s8] =	ssyncadd.s32 $0xFFFFD800;
	(pc) =	sbr.rel @p1 .LBB2_4-.Ltmp2, $4  }
0x7a: {  	[spmem:s4] =	stream.indirect.scatter.add.f32 [tilespmem:s28], [sflag:$0x7], $0x80, s26, s30, $0xb8;
	[tilespmem:$0x1E200] =	vst v63  }
0x7b: {  	_ =	swait.ge [sflag:s9], $0x2800  }
0x7c: {  	[sflag:s9] =	ssyncset.done $0x0  }
0x7d: {  	[sflag:s9] =	ssyncadd.s32 $0xFFFFD800  }
0x7e: {  	s23 =	sadd.s32 s18, s16  }
0x7f: {  	s24 =	sshrl.u32 s23, $0x3  }
0x80: {  	s23 =	sshll.u32 s23, $0x4;
	s24 =	sadd.s32 s1, s24  }
0x81: {  	[tilespmem:s21], [sflag:$0x2] =	stream.linear.gather [hbm4b:s24+s5], $0x50, $0x38;
	[tilespmem:$0x1E200] =	vst v63  }
0x82: {  	s23 =	sadd.s32 s0, s23  }
0x83: {  	[tilespmem:s22], [sflag:$0x2] =	stream.linear.gather [hbm4b:s23+s5], $0x2800, $0x38;
	[tilespmem:$0x1E200] =	vst v63  }
0x84: {  	_ =	swait.ge [sflag:s10], $0x50  }
0x85: {  	[sflag:s10] =	ssyncset.done $0x0  }
0x86: {  	[sflag:s10] =	ssyncadd.s32 $0xFFFFFFB0  }
0x87: {  	_ =	swait.ge [sflag:s10], $0x2800  }
0x88: {  	[sflag:s10] =	ssyncset.done $0x0  }
0x89: {  	[sflag:s10] =	ssyncadd.s32 $0xFFFFD800  }
0x8a: {  	[spmem:s4] =	stream.indirect.scatter.add.f32 [tilespmem:s2], [sflag:$0x8], $0x80, s31, s30, $0xb8;
	[tilespmem:$0x1E200] =	vst v63  }
0x8b: {  	s18 =	sadd.s32 s18, s17;
	_ =	swait.ge [sflag:s11], $0x2800  }
.Ltmp3:
0x8c: {  	s24 =	sshrl.u32 s18, $0x3;
	[sflag:s11] =	ssyncset.done $0x0;
	(pc) =	sbr.rel .LBB2_2-.Ltmp3, $4  }
0x8d: {  	s18 =	sshll.u32 s18, $0x4;
	s23 =	sadd.s32 s1, s24;
	[sflag:s11] =	ssyncadd.s32 $0xFFFFD800  }
0x8e: {  	[tilespmem:s26], [sflag:$0x3] =	stream.linear.gather [hbm4b:s23+s5], $0x50, $0x38;
	[tilespmem:$0x1E200] =	vst v63  }
0x8f: {  	s19 =	sadd.s32 $0x140, s19;
	s18 =	sadd.s32 s0, s18  }
0x90: {  	[tilespmem:s28], [sflag:$0x3] =	stream.linear.gather [hbm4b:s18+s5], $0x2800, $0x38;
	[tilespmem:$0x1E200] =	vst v63  }
.LBB2_5:
0x91: {  	_ =	sfence.sel $0x180000  }
0x92: {  	[bflag:$0x0] =	sbarrier.arrive $0xFFFF  }
0x93: {  	_ =	strace $0x90000047  }
0x94: {  	[bflag:$0x2] =	sbarrier.arrive $0xFFFF  }
0x95: {  	p0 =	sne.s32 s19, $0x0;
	s0 =	rddreg [dreg:$0x5]  }
0x96: {  	s0 =	sadd.s32 @!p0 $0x100000, s0  }
0x97: {  	[sflag:s0] =	ssyncadd.tile.s32 @!p0 $0x1;
	_ =	shalt  }
.Lfunc_end2:
_tile_overlayer_lowered:
.L_overlay_start_2:
0x98: {  	(tag) =	ssettag $0x2  }
0x99: {  	s0 =	rddreg [dreg:$0x0];
	s2 =	stileid.u32  }
0x9a: {  	s1 =	rddreg [dreg:$0x1];
	p0 =	sne.s32 s2, $0x0  }
0x9b: {  	s3 =	rddreg [dreg:$0x2];
	[bflag:$0x3] =	sbarrier.arrive $0xFFFF;
	s2 =	simm.s32 @!p0 $0x1C09  }
0x9c: {  	[timem:s3], [sflag:s2] =	dma.local @!p0 [hbm:s0], s1  }
0x9d: {  	s0 =	simm.s32 @!p0 $0x9  }
0x9e: {  	_ =	swait.ge @!p0 [sflag:s0], s1  }
0x9f: {  	s1 =	ssub.s32 @!p0 $0x0, s1;
	[sflag:s0] =	ssyncset.done @!p0 $0x0  }
0xa0: {  	[sflag:s0] =	ssyncadd.s32 @!p0 s1  }
0xa1: {  	[bflag:$0x3] =	sbarrier.arrive $0xFFFF  }
0xa2: {  	_ =	shalt  }

</sc_bundles>
